<compile_context>
chip_gen: v7x
topology: tpu7x:2x2x1
jax: 0.10.2.dev20260603
libtpu: 0.0.44.dev20260713+nightly
codegen_flags: <defaults>
</compile_context>

<pallas_src>
import functools

import jax
import jax.numpy as jnp
from jax import lax
from jax.experimental import pallas as pl
from jax.experimental.pallas import tpu as pltpu
from jax.experimental.pallas import tpu_sc as plsc

N = 10000
E = 320000
G = 100
F1, F2, F3 = 128, 64, 32

SC_CORES = 2
SC_TILES = 16
EPT = E // SC_TILES
ECH = 125
TCH = EPT // ECH
NP = 10240
RPT = NP // SC_TILES

NB = 5
B = N // NB

def _dot(a, b):
    return jnp.dot(a, b, preferred_element_type=jnp.float32)


def _col0_to(width):
    r = lax.broadcasted_iota(jnp.int32, (16, width), 0)
    return (r == 0).astype(jnp.float32)



def _sc_mesh():
    return plsc.VectorSubcoreMesh(
        core_axis_name="c", subcore_axis_name="s",
        num_cores=SC_CORES, num_subcores=SC_TILES)


@functools.partial(jax.jit, static_argnames=("d", "kdepth"))
def _sc_edge_pass(hs_table, src_flat, dst_flat, zeros_tile, d, kdepth=1):
    K = kdepth
    NSLOT = 2 * K
    BCH = 16
    NBLK = TCH // BCH
    assert TCH % NSLOT == 0 and BCH % NSLOT == 0 and BCH > 2 * K
    src_r = src_flat.reshape(SC_CORES * SC_TILES, NBLK, BCH, ECH)
    dst_r = dst_flat.reshape(SC_CORES * SC_TILES, NBLK, BCH, ECH)

    @functools.partial(
        pl.kernel,
        out_type=jax.ShapeDtypeStruct((SC_CORES, NP, d), jnp.bfloat16),
        mesh=_sc_mesh(),
        compiler_params=pltpu.CompilerParams(use_tc_tiling_on_sc=False),
        scratch_types=[
            pltpu.VMEM((2, BCH, ECH), jnp.int32),
            pltpu.VMEM((2, BCH, ECH), jnp.int32),
            pltpu.VMEM((NSLOT, ECH, d), jnp.bfloat16),
            pltpu.VMEM_SHARED((NP, d), jnp.bfloat16),
        ] + [pltpu.SemaphoreType.DMA] * (2 * NSLOT + 1),
    )
    def k(hs_hbm, src_hbm, dst_hbm, zero_hbm, out_hbm, src_v, dst_v, rows_v,
          acc_sh, *sems):
        gsem = sems[:NSLOT]
        ssem = sems[NSLOT:2 * NSLOT]
        isem = sems[2 * NSLOT]
        c = lax.axis_index("c")
        s = lax.axis_index("s")
        w = c * SC_TILES + s
        pltpu.sync_copy(zero_hbm, acc_sh.at[pl.ds(s * RPT, RPT)])
        pltpu.sync_copy(src_hbm.at[w, 0], src_v.at[0])
        pltpu.sync_copy(dst_hbm.at[w, 0], dst_v.at[0])
        plsc.subcore_barrier()

        for j in range(K):
            pltpu.async_copy(hs_hbm.at[src_v.at[0].at[j]], rows_v.at[j],
                             gsem[j])

        def body(tt, carry):
            for j in range(NSLOT):
                t = tt * NSLOT + j
                jk = (j + K) % NSLOT
                bb = t // BCH
                r = t % BCH
                p = bb % 2
                t2 = t + K
                p2 = (t2 // BCH) % 2
                r2 = t2 % BCH

                @pl.when((r == K) & (bb + 1 < NBLK))
                def _():
                    pn = (bb + 1) % 2
                    pltpu.async_copy(src_hbm.at[w, bb + 1], src_v.at[pn],
                                     isem)
                    pltpu.async_copy(dst_hbm.at[w, bb + 1], dst_v.at[pn],
                                     isem)

                @pl.when((r == BCH - K) & (bb + 1 < NBLK))
                def _():
                    pltpu.make_async_copy(src_hbm.at[w, 0], src_v.at[0],
                                          isem).wait()
                    pltpu.make_async_copy(dst_hbm.at[w, 0], dst_v.at[0],
                                          isem).wait()

                pltpu.make_async_copy(
                    hs_hbm.at[src_v.at[p].at[r]], rows_v.at[j],
                    gsem[j]).wait()
                pltpu.async_copy(rows_v.at[j], acc_sh.at[dst_v.at[p].at[r]],
                                 ssem[j], add=True)

                @pl.when(t >= K)
                def _():
                    pltpu.make_async_copy(
                        rows_v.at[jk], acc_sh.at[dst_v.at[p].at[r]],
                        ssem[jk]).wait()

                @pl.when(t2 < TCH)
                def _():
                    pltpu.async_copy(hs_hbm.at[src_v.at[p2].at[r2]],
                                     rows_v.at[jk], gsem[jk])
            return carry

        lax.fori_loop(0, TCH // NSLOT, body, jnp.int32(0))
        for j in range(K, NSLOT):
            pltpu.make_async_copy(
                rows_v.at[j], acc_sh.at[dst_v.at[0].at[0]], ssem[j]).wait()
        plsc.subcore_barrier()
        pltpu.sync_copy(acc_sh.at[pl.ds(s * RPT, RPT)],
                        out_hbm.at[c, pl.ds(s * RPT, RPT)])

    return k(hs_table, src_r, dst_r, zeros_tile)


@jax.jit
def _sc_degree(dst_flat, ones_rows, zeros_tile):
    dst_r = dst_flat.reshape(SC_CORES * SC_TILES, TCH, ECH)

    @functools.partial(
        pl.kernel,
        out_type=jax.ShapeDtypeStruct((SC_CORES, NP, 16), jnp.float32),
        mesh=_sc_mesh(),
        compiler_params=pltpu.CompilerParams(use_tc_tiling_on_sc=False),
        scratch_types=[
            pltpu.VMEM((TCH, ECH), jnp.int32),
            pltpu.VMEM((ECH, 16), jnp.float32),
            pltpu.VMEM_SHARED((NP, 16), jnp.float32),
            pltpu.SemaphoreType.DMA,
        ],
    )
    def k(dst_hbm, ones_hbm, zero_hbm, out_hbm, dst_v, ones_v, acc_sh, ssem):
        c = lax.axis_index("c")
        s = lax.axis_index("s")
        w = c * SC_TILES + s
        pltpu.sync_copy(ones_hbm, ones_v)
        pltpu.sync_copy(dst_hbm.at[w], dst_v)
        pltpu.sync_copy(zero_hbm, acc_sh.at[pl.ds(s * RPT, RPT)])
        plsc.subcore_barrier()

        def body(t, carry):
            pltpu.async_copy(ones_v, acc_sh.at[dst_v.at[t]], ssem, add=True)
            return carry

        lax.fori_loop(0, TCH, body, jnp.int32(0))

        def drain(t, carry):
            pltpu.make_async_copy(ones_v, acc_sh.at[dst_v.at[0]],
                                  ssem).wait()
            return carry

        lax.fori_loop(0, TCH, drain, jnp.int32(0))
        plsc.subcore_barrier()
        pltpu.sync_copy(acc_sh.at[pl.ds(s * RPT, RPT)],
                        out_hbm.at[c, pl.ds(s * RPT, RPT)])

    return k(dst_r, ones_rows, zeros_tile)



def _row2_spec(d):
    return pl.BlockSpec((2, B, d), lambda i: (0, i, 0))


def _full_spec(shape):
    nd = len(shape)
    return pl.BlockSpec(shape, lambda i: (0,) * nd)


def _prep_body(degw_ref, x1_ref, x2_ref, w1_ref, hs_ref):
    for g, x_ref in ((0, x1_ref), (1, x2_ref)):
        dinv_d = _dot(lax.rsqrt(degw_ref[g] + 1.0), _col0_to(F1))
        hs_ref[g] = (dinv_d * _dot(x_ref[...], w1_ref[...])
                     ).astype(jnp.bfloat16)


@jax.jit
def _tc_prep(degw, x1, x2, W1):
    return pl.pallas_call(
        _prep_body,
        grid=(NB,),
        in_specs=[pl.BlockSpec((2, B, 16), lambda i: (0, i, 0)),
                  pl.BlockSpec((B, F1), lambda i: (i, 0)),
                  pl.BlockSpec((B, F1), lambda i: (i, 0)),
                  _full_spec((F1, F1))],
        out_specs=_row2_spec(F1),
        out_shape=jax.ShapeDtypeStruct((2, N, F1), jnp.bfloat16),
    )(degw, x1, x2, W1)


def _layer_a_body(d, dnext, degw_ref, acc_ref, hs_ref, b_ref, br_ref,
                  aw1_ref, ab1_ref, aw2_ref, ab2_ref, wn_ref,
                  f_ref, sseg_ref, cnt_ref, hsn_ref):
    i = pl.program_id(0)
    iota_gb = lax.broadcasted_iota(jnp.int32, (G, B), 0)

    @pl.when(i == 0)
    def _():
        sseg_ref[...] = jnp.zeros_like(sseg_ref)
        cnt_ref[...] = jnp.zeros_like(cnt_ref)

    for g in range(2):
        dinv_d = _dot(lax.rsqrt(degw_ref[g] + 1.0), _col0_to(d))
        f = jnp.maximum(
            dinv_d * (acc_ref[g].astype(jnp.float32) +
                      hs_ref[g].astype(jnp.float32)) + b_ref[...], 0.0)
        f_ref[g] = f
        u = jnp.maximum(_dot(f, aw1_ref[...]) + ab1_ref[...], 0.0)
        att = jnp.tanh(_dot(u, aw2_ref[...]) + ab2_ref[...])
        Pt = (jnp.broadcast_to(br_ref[g, 0], (G, B)) == iota_gb
              ).astype(jnp.float32)
        sseg_ref[g] += _dot(Pt, f * att)
        cnt_ref[g] += _dot(Pt, jnp.ones((B, 1), jnp.float32))
        if dnext:
            dinv_dn = _dot(lax.rsqrt(degw_ref[g] + 1.0), _col0_to(dnext))
            hsn_ref[g] = (dinv_dn * _dot(f, wn_ref[...])
                          ).astype(jnp.bfloat16)


@functools.partial(jax.jit, static_argnames=("d", "dnext"))
def _tc_layer_a(degw, acc, hs, b, br3, aw1, ab1, aw2, ab2, wn, d, dnext):
    r = aw1.shape[1]
    dn = dnext or 8
    return pl.pallas_call(
        functools.partial(_layer_a_body, d, dnext),
        grid=(NB,),
        in_specs=[pl.BlockSpec((2, B, 16), lambda i: (0, i, 0)),
                  _row2_spec(d), _row2_spec(d),
                  _full_spec((1, d)),
                  pl.BlockSpec((2, 1, 1, B), lambda i: (0, i, 0, 0)),
                  _full_spec((d, r)), _full_spec((1, r)),
                  _full_spec((r, d)), _full_spec((1, d)),
                  _full_spec((d, dn))],
        out_specs=[_row2_spec(d), _full_spec((2, G, d)),
                   _full_spec((2, G, 1)), _row2_spec(dn)],
        out_shape=[jax.ShapeDtypeStruct((2, N, d), jnp.float32),
                   jax.ShapeDtypeStruct((2, G, d), jnp.float32),
                   jax.ShapeDtypeStruct((2, G, 1), jnp.float32),
                   jax.ShapeDtypeStruct((2, N, dn), jnp.bfloat16)],
    )(degw, acc, hs, b, br3, aw1, ab1, aw2, ab2, wn)


def _ntn(e1, e2, tW, tWbT, tb, d, dh):
    T3 = _dot(e1, tW)
    scoring = jnp.sum(T3.reshape(G, d, dh) * e2[:, :, None], axis=1)
    block = _dot(jnp.concatenate([e1, e2], axis=1), tWbT)
    return jnp.maximum(scoring + block + tb, 0.0)


def _layer_b_body(d, final, *refs):
    if final:
        (f_ref, bc_ref, br_ref, sseg_ref, cnt_ref,
         tW_ref, tWbT_ref, tb_ref, s1_ref, s2_ref,
         sew1_ref, seb1_ref, sew2_ref, seb2_ref, fcw_ref, fcb_ref,
         e_ref, out_ref) = refs
    else:
        (f_ref, bc_ref, br_ref, sseg_ref, cnt_ref,
         tW_ref, tWbT_ref, tb_ref,
         e_ref, out_ref) = refs
    i = pl.program_id(0)
    iota_bg = lax.broadcasted_iota(jnp.int32, (B, G), 1)
    iota_gb = lax.broadcasted_iota(jnp.int32, (G, B), 0)

    @pl.when(i == 0)
    def _():
        e_ref[...] = jnp.zeros_like(e_ref)

    for g in range(2):
        f = f_ref[g]
        tg = jnp.tanh(sseg_ref[g] / jnp.maximum(cnt_ref[g], 1.0))
        P = (jnp.broadcast_to(bc_ref[g, 0], (B, G)) == iota_bg
             ).astype(jnp.float32)
        Pt = (jnp.broadcast_to(br_ref[g, 0], (G, B)) == iota_gb
              ).astype(jnp.float32)
        tgn = _dot(P, tg)
        coefs_d = jax.nn.sigmoid(
            _dot(f * tgn, jnp.ones((d, d), jnp.float32)) * 10.0)
        e_ref[g] += _dot(Pt, coefs_d * f)

    @pl.when(i == NB - 1)
    def _():
        s = _ntn(e_ref[0], e_ref[1], tW_ref[...], tWbT_ref[...],
                 tb_ref[...], d, d // 2)
        if final:
            scores = jnp.concatenate([s, s2_ref[...], s1_ref[...]], axis=1)
            se = jax.nn.sigmoid(
                _dot(jnp.maximum(_dot(scores, sew1_ref[...]) + seb1_ref[...],
                                 0.0), sew2_ref[...]) + seb2_ref[...])
            out_ref[...] = jnp.maximum(
                _dot(se * scores + scores, fcw_ref[...]) + fcb_ref[...], 0.0)
        else:
            out_ref[...] = s


@functools.partial(jax.jit, static_argnames=("d", "final"))
def _tc_layer_b(f, bc3, br3, sseg, cnt, tWf, tWbT, tb, extras, d, final):
    dh = d // 2
    in_specs = [_row2_spec(d),
                pl.BlockSpec((2, 1, B, 1), lambda i: (0, i, 0, 0)),
                pl.BlockSpec((2, 1, 1, B), lambda i: (0, i, 0, 0)),
                _full_spec((2, G, d)), _full_spec((2, G, 1)),
                _full_spec((d, d * dh)), _full_spec((2 * d, dh)),
                _full_spec((1, dh))]
    args = [f, bc3, br3, sseg, cnt, tWf, tWbT, tb]
    if final:
        in_specs += [_full_spec(x.shape) for x in extras]
        args += list(extras)
    out_specs = [_full_spec((2, G, d)),
                 _full_spec((G, 64 if final else dh))]
    out_shape = [jax.ShapeDtypeStruct((2, G, d), jnp.float32),
                 jax.ShapeDtypeStruct((G, 64 if final else dh),
                                      jnp.float32)]
    return pl.pallas_call(
        functools.partial(_layer_b_body, d, final),
        grid=(NB,),
        in_specs=in_specs,
        out_specs=out_specs,
        out_shape=out_shape,
    )(*args)



def kernel(edge_index_1, features_1, batch_1, i_1, edge_index_2, features_2,
           batch_2, i_2, W1, b1, W2, b2, W3, b3, a1w1, a1b1, a1w2, a1b2,
           a2w1, a2b1, a2w2, a2b2, a3w1, a3b1, a3w2, a3b2, t1W, t1Wb, t1b,
           t2W, t2Wb, t2b, t3W, t3Wb, t3b, fc_w, fc_b, se_w1, se_b1,
           se_w2, se_b2):
    src_flat = jnp.concatenate([edge_index_1[0], edge_index_2[0] + N])
    dst_flat = jnp.concatenate([edge_index_1[1], edge_index_2[1]])
    batch = jnp.stack([batch_1, batch_2])
    bc3 = batch.reshape(2, NB, B, 1)
    br3 = batch.reshape(2, NB, 1, B)
    tWf = (t1W.reshape(F1, F1 * (F1 // 2)),
           t2W.reshape(F2, F2 * (F2 // 2)),
           t3W.reshape(F3, F3 * (F3 // 2)))
    tWbT = (t1Wb.T, t2Wb.T, t3Wb.T)
    tb = (t1b.reshape(1, -1), t2b.reshape(1, -1), t3b.reshape(1, -1))
    aws = ((a1w1, a1b1.reshape(1, -1), a1w2, a1b2.reshape(1, -1)),
           (a2w1, a2b1.reshape(1, -1), a2w2, a2b2.reshape(1, -1)),
           (a3w1, a3b1.reshape(1, -1), a3w2, a3b2.reshape(1, -1)))
    bs = (b1.reshape(1, F1), b2.reshape(1, F2), b3.reshape(1, F3))
    Wn = (W2, W3, None)
    dims = (F1, F2, F3)
    ones_rows = jnp.ones((ECH, 16), jnp.float32)
    z16 = jnp.zeros((RPT, 16), jnp.float32)
    zd = {dd: jnp.zeros((RPT, dd), jnp.bfloat16) for dd in dims}

    degw = _sc_degree(dst_flat, ones_rows, z16)
    hs = _tc_prep(degw, features_1, features_2, W1)

    ss = []
    out = None
    for l in range(3):
        d, dnext = dims[l], (dims[l + 1] if l < 2 else 0)
        acc = _sc_edge_pass(hs.reshape(2 * N, d), src_flat, dst_flat,
                            zd[d], d=d, kdepth=2 if d == F1 else 4)
        aw1, ab1, aw2, ab2 = aws[l]
        wn = Wn[l] if Wn[l] is not None else jnp.zeros((d, 8), jnp.float32)
        f, sseg, cnt, hsn = _tc_layer_a(degw, acc, hs, bs[l], br3,
                                        aw1, ab1, aw2, ab2, wn,
                                        d=d, dnext=dnext)
        final = l == 2
        extras = ((ss[0], ss[1], se_w1, se_b1.reshape(1, -1), se_w2,
                   se_b2.reshape(1, -1), fc_w, fc_b.reshape(1, -1))
                  if final else ())
        e, out_l = _tc_layer_b(f, bc3, br3, sseg, cnt,
                               tWf[l], tWbT[l], tb[l], extras,
                               d=d, final=final)
        if final:
            out = out_l
        else:
            ss.append(out_l)
            hs = hsn
    return out

# --- scband reference (transcript-rebuilt; emitter-appended) ---
"""Pipeline reference for scband-egsct-generator-6597069767202 (READ-ONLY COPY).

The authoritative reference and input builder live on the scoring server;
editing this copy changes nothing except your own understanding.
"""

import jax, jax.numpy as jnp
import numpy as np

N = 10000
E = 320000
F_IN = 128
F1, F2, F3 = 128, 64, 32
G = 100
BOTTLE = 64
FEAT_COUNT = (F1 + F2 + F3) // 2


def _glorot(key, shape):
    fin = shape[0] if len(shape) == 2 else int(np.prod(shape[:-1]))
    fout = shape[-1]
    lim = float(np.sqrt(6.0 / (fin + fout)))
    return jax.random.uniform(key, shape, jnp.float32, -lim, lim)


def setup_inputs(seed: int = 0):
    key = jax.random.key(seed)
    ks = jax.random.split(key, 48)
    inp = {}
    inp["edge_index_1"] = jax.random.randint(ks[0], (2, E), 0, N, dtype=jnp.int32)
    inp["features_1"] = jax.random.normal(ks[1], (N, F_IN), dtype=jnp.float32)
    inp["batch_1"] = jnp.sort(jax.random.randint(ks[2], (N,), 0, G, dtype=jnp.int32)).at[0].set(0).at[-1].set(G - 1)
    inp["i_1"] = 0
    inp["edge_index_2"] = jax.random.randint(ks[3], (2, E), 0, N, dtype=jnp.int32)
    inp["features_2"] = jax.random.normal(ks[4], (N, F_IN), dtype=jnp.float32)
    inp["batch_2"] = jnp.sort(jax.random.randint(ks[5], (N,), 0, G, dtype=jnp.int32)).at[0].set(0).at[-1].set(G - 1)
    inp["i_2"] = 0
    inp["W1"] = _glorot(ks[6], (F_IN, F1)); inp["b1"] = jnp.zeros((F1,), jnp.float32)
    inp["W2"] = _glorot(ks[7], (F1, F2)); inp["b2"] = jnp.zeros((F2,), jnp.float32)
    inp["W3"] = _glorot(ks[8], (F2, F3)); inp["b3"] = jnp.zeros((F3,), jnp.float32)
    for i, d in ((1, F1), (2, F2), (3, F3)):
        r = d // 4
        inp["a%dw1" % i] = _glorot(ks[9 + 4 * i], (d, r)); inp["a%db1" % i] = jnp.zeros((r,), jnp.float32)
        inp["a%dw2" % i] = _glorot(ks[10 + 4 * i], (r, d)); inp["a%db2" % i] = jnp.zeros((d,), jnp.float32)
    for i, d in ((1, F1), (2, F2), (3, F3)):
        inp["t%dW" % i] = _glorot(ks[24 + 3 * i], (d, d, d // 2))
        inp["t%dWb" % i] = _glorot(ks[25 + 3 * i], (d // 2, 2 * d))
        inp["t%db" % i] = jnp.zeros((d // 2,), jnp.float32)
    inp["fc_w"] = _glorot(ks[40], (FEAT_COUNT, BOTTLE)); inp["fc_b"] = jnp.zeros((BOTTLE,), jnp.float32)
    inp["se_w1"] = _glorot(ks[41], (FEAT_COUNT, FEAT_COUNT // 4)); inp["se_b1"] = jnp.zeros((FEAT_COUNT // 4,), jnp.float32)
    inp["se_w2"] = _glorot(ks[42], (FEAT_COUNT // 4, FEAT_COUNT)); inp["se_b2"] = jnp.zeros((FEAT_COUNT,), jnp.float32)
    return inp


def _gcn(x, ei, W, b):
    n = x.shape[0]
    loops = jnp.arange(n, dtype=ei.dtype)
    src = jnp.concatenate([ei[0], loops])
    dst = jnp.concatenate([ei[1], loops])
    deg = jax.ops.segment_sum(jnp.ones(src.shape[0], jnp.float32), dst, num_segments=n)
    dinv = jnp.where(deg > 0, 1.0 / jnp.sqrt(deg), 0.0)
    norm = dinv[src] * dinv[dst]
    h = x @ W
    out = jax.ops.segment_sum(norm[:, None] * h[src], dst, num_segments=n)
    return out + b


def _att(x, batch, w1, b1, w2, b2):
    att = jnp.tanh(jnp.maximum(x @ w1 + b1, 0.0) @ w2 + b2)
    s = jax.ops.segment_sum(x * att, batch, num_segments=G)
    cnt = jax.ops.segment_sum(jnp.ones(x.shape[0], jnp.float32), batch, num_segments=G)
    mean = s / jnp.maximum(cnt, 1.0)[:, None]
    tg = jnp.tanh(mean)
    coefs = jax.nn.sigmoid(jnp.sum(x * tg[batch] * 10.0, axis=1))
    return jax.ops.segment_sum(coefs[:, None] * x, batch, num_segments=G)


def _ntn(e1, e2, W, Wb, b):
    scoring = jnp.einsum('bi,ijk,bj->bk', e1, W, e2)
    block = jnp.concatenate([e1, e2], axis=1) @ Wb.T
    return jnp.maximum(scoring + block + b, 0.0)


def _forward(features_1, features_2, W1, b1, W2, b2, W3, b3, a1w1, a1b1, a1w2, a1b2, a2w1, a2b1, a2w2, a2b2, a3w1, a3b1, a3w2, a3b2, t1W, t1Wb, t1b, t2W, t2Wb, t2b, t3W, t3Wb, t3b, fc_w, fc_b, se_w1, se_b1, se_w2, se_b2, edge_index_1, batch_1, edge_index_2, batch_2):
    f1_1 = jnp.maximum(_gcn(features_1, edge_index_1, W1, b1), 0.0)
    f1_2 = jnp.maximum(_gcn(features_2, edge_index_2, W1, b1), 0.0)
    s1 = _ntn(_att(f1_1, batch_1, a1w1, a1b1, a1w2, a1b2), _att(f1_2, batch_2, a1w1, a1b1, a1w2, a1b2), t1W, t1Wb, t1b)
    f2_1 = jnp.maximum(_gcn(f1_1, edge_index_1, W2, b2), 0.0)
    f2_2 = jnp.maximum(_gcn(f1_2, edge_index_2, W2, b2), 0.0)
    s2 = _ntn(_att(f2_1, batch_1, a2w1, a2b1, a2w2, a2b2), _att(f2_2, batch_2, a2w1, a2b1, a2w2, a2b2), t2W, t2Wb, t2b)
    f3_1 = jnp.maximum(_gcn(f2_1, edge_index_1, W3, b3), 0.0)
    f3_2 = jnp.maximum(_gcn(f2_2, edge_index_2, W3, b3), 0.0)
    s3 = _ntn(_att(f3_1, batch_1, a3w1, a3b1, a3w2, a3b2), _att(f3_2, batch_2, a3w1, a3b1, a3w2, a3b2), t3W, t3Wb, t3b)
    scores = jnp.concatenate([s3, s2, s1], axis=1)
    se = jax.nn.sigmoid(jnp.maximum(scores @ se_w1 + se_b1, 0.0) @ se_w2 + se_b2)
    return jnp.maximum((se * scores + scores) @ fc_w + fc_b, 0.0)


def reference(edge_index_1, features_1, batch_1, i_1, edge_index_2, features_2, batch_2, i_2, W1, b1, W2, b2, W3, b3, a1w1, a1b1, a1w2, a1b2, a2w1, a2b1, a2w2, a2b2, a3w1, a3b1, a3w2, a3b2, t1W, t1Wb, t1b, t2W, t2Wb, t2b, t3W, t3Wb, t3b, fc_w, fc_b, se_w1, se_b1, se_w2, se_b2):
    return _forward(features_1, features_2, W1, b1, W2, b2, W3, b3, a1w1, a1b1, a1w2, a1b2, a2w1, a2b1, a2w2, a2b2, a3w1, a3b1, a3w2, a3b2, t1W, t1Wb, t1b, t2W, t2Wb, t2b, t3W, t3Wb, t3b, fc_w, fc_b, se_w1, se_b1, se_w2, se_b2, edge_index_1, batch_1, edge_index_2, batch_2)

if __name__ == "__main__":
    import jax
    _d = setup_inputs()
    print(jax.jit(kernel)(*tuple(_d.values())))

</pallas_src>

<mosaic_0001>
#map = affine_map<(d0, d1) -> (0, 0, 0)>
#map1 = affine_map<(d0, d1) -> (0, 0)>
module attributes {stable_mosaic.version = 14 : i64} {
  func.func @k(%arg0: i32, %arg1: i32, %arg2: memref<32x160x125xi32, #tpu.memory_space<hbm>>, %arg3: memref<125x16xf32, #tpu.memory_space<hbm>>, %arg4: memref<640x16xf32, #tpu.memory_space<hbm>>, %arg5: memref<2x10240x16xf32, #tpu.memory_space<hbm>>, %arg6: memref<160x125xi32, #tpu.memory_space<vmem>>, %arg7: memref<125x16xf32, #tpu.memory_space<vmem>>, %arg8: memref<10240x16xf32, #tpu.memory_space<vmem_shared>>, %arg9: memref<!tpu.dma_semaphore, #tpu.memory_space<semaphore_mem>>) attributes {dimension_semantics = [#tpu.dimension_semantics<core_parallel>, #tpu.dimension_semantics<subcore_parallel>], iteration_bounds = array<i64: 2, 16>, scalar_prefetch = 0 : i64, scratch_operands = 4 : i64, tpu.core_type = #tpu.core_type<sc_vector_subcore>, window_params = [{transform_indices = #map}, {transform_indices = #map1}, {transform_indices = #map1}, {transform_indices = #map}]} {
    %mul3A = arith.constant 16 : i32
    %mul3A_0 = arith.muli %arg0, %mul3A : i32
    %add3A = arith.addi %mul3A_0, %arg1 : i32
    "tpu.region"() ({
      %run_scoped3A = tpu.sem_alloc : memref<!tpu.dma_semaphore, #tpu.memory_space<semaphore_mem>>
      tpu.enqueue_dma source(%arg3 : memref<125x16xf32, #tpu.memory_space<hbm>>) target(%arg7 : memref<125x16xf32, #tpu.memory_space<vmem>>) target_semaphore(%run_scoped3A : memref<!tpu.dma_semaphore, #tpu.memory_space<semaphore_mem>>)
      tpu.wait_dma2 semaphore(%run_scoped3A : memref<!tpu.dma_semaphore, #tpu.memory_space<semaphore_mem>>) src(%arg3 : memref<125x16xf32, #tpu.memory_space<hbm>>) dst(%arg7 : memref<125x16xf32, #tpu.memory_space<vmem>>)
      tpu.yield
    }) : () -> ()
    "tpu.region"() ({
      %run_scoped3A = tpu.sem_alloc : memref<!tpu.dma_semaphore, #tpu.memory_space<semaphore_mem>>
      %dma_start3A = arith.constant 0 : i32
      %dma_start3A_19 = arith.constant 0 : i32
      %dma_start3A_20 = tpu.memref_slice %arg2[%add3A, %dma_start3A, %dma_start3A_19] : memref<32x160x125xi32, #tpu.memory_space<hbm>> -> memref<1x160x125xi32, #tpu.memory_space<hbm>>
      %dma_start3A_21 = tpu.memref_squeeze %dma_start3A_20 : memref<1x160x125xi32, #tpu.memory_space<hbm>> -> memref<160x125xi32, #tpu.memory_space<hbm>>
      %dma_start3A_22 = arith.constant 0 : i32
      %dma_start3A_23 = arith.constant 0 : i32
      %dma_start3A_24 = tpu.memref_slice %arg2[%add3A, %dma_start3A_22, %dma_start3A_23] : memref<32x160x125xi32, #tpu.memory_space<hbm>> -> memref<1x160x125xi32, #tpu.memory_space<hbm>>
      %dma_start3A_25 = tpu.memref_squeeze %dma_start3A_24 : memref<1x160x125xi32, #tpu.memory_space<hbm>> -> memref<160x125xi32, #tpu.memory_space<hbm>>
      tpu.enqueue_dma source(%dma_start3A_25 : memref<160x125xi32, #tpu.memory_space<hbm>>) target(%arg6 : memref<160x125xi32, #tpu.memory_space<vmem>>) target_semaphore(%run_scoped3A : memref<!tpu.dma_semaphore, #tpu.memory_space<semaphore_mem>>)
      %dma_wait3A = arith.constant 0 : i32
      %dma_wait3A_26 = arith.constant 0 : i32
      %dma_wait3A_27 = tpu.memref_slice %arg2[%add3A, %dma_wait3A, %dma_wait3A_26] : memref<32x160x125xi32, #tpu.memory_space<hbm>> -> memref<1x160x125xi32, #tpu.memory_space<hbm>>
      %dma_wait3A_28 = tpu.memref_squeeze %dma_wait3A_27 : memref<1x160x125xi32, #tpu.memory_space<hbm>> -> memref<160x125xi32, #tpu.memory_space<hbm>>
      %dma_wait3A_29 = arith.constant 0 : i32
      %dma_wait3A_30 = arith.constant 0 : i32
      %dma_wait3A_31 = tpu.memref_slice %arg2[%add3A, %dma_wait3A_29, %dma_wait3A_30] : memref<32x160x125xi32, #tpu.memory_space<hbm>> -> memref<1x160x125xi32, #tpu.memory_space<hbm>>
      %dma_wait3A_32 = tpu.memref_squeeze %dma_wait3A_31 : memref<1x160x125xi32, #tpu.memory_space<hbm>> -> memref<160x125xi32, #tpu.memory_space<hbm>>
      tpu.wait_dma2 semaphore(%run_scoped3A : memref<!tpu.dma_semaphore, #tpu.memory_space<semaphore_mem>>) src(%dma_wait3A_32 : memref<160x125xi32, #tpu.memory_space<hbm>>) dst(%arg6 : memref<160x125xi32, #tpu.memory_space<vmem>>)
      tpu.yield
    }) : () -> ()
    %mul3A_1 = arith.constant 640 : i32
    %mul3A_2 = arith.muli %arg1, %mul3A_1 : i32
    "tpu.region"() ({
      %run_scoped3A = tpu.sem_alloc : memref<!tpu.dma_semaphore, #tpu.memory_space<semaphore_mem>>
      %dma_start3A = arith.constant 0 : i32
      %dma_start3A_19 = tpu.memref_slice %arg8[%mul3A_2, %dma_start3A] : memref<10240x16xf32, #tpu.memory_space<vmem_shared>> -> memref<640x16xf32, #tpu.memory_space<vmem_shared>>
      tpu.enqueue_dma source(%arg4 : memref<640x16xf32, #tpu.memory_space<hbm>>) target(%dma_start3A_19 : memref<640x16xf32, #tpu.memory_space<vmem_shared>>) target_semaphore(%run_scoped3A : memref<!tpu.dma_semaphore, #tpu.memory_space<semaphore_mem>>)
      %dma_wait3A = arith.constant 0 : i32
      %dma_wait3A_20 = tpu.memref_slice %arg8[%mul3A_2, %dma_wait3A] : memref<10240x16xf32, #tpu.memory_space<vmem_shared>> -> memref<640x16xf32, #tpu.memory_space<vmem_shared>>
      tpu.wait_dma2 semaphore(%run_scoped3A : memref<!tpu.dma_semaphore, #tpu.memory_space<semaphore_mem>>) src(%arg4 : memref<640x16xf32, #tpu.memory_space<hbm>>) dst(%dma_wait3A_20 : memref<640x16xf32, #tpu.memory_space<vmem_shared>>)
      tpu.yield
    }) : () -> ()
    %barrier3A = arith.constant 0 : index
    tpu.barrier barrier_id(%barrier3A)
    %scan3A = arith.constant 0 : i32
    %scan3A_3 = arith.constant 0 : i32
    %scan3A_4 = arith.constant 160 : i32
    %scan3A_5 = arith.addi %scan3A_3, %scan3A_4 : i32
    %scan3A_6 = arith.constant 1 : i32
    scf.for %scan3A_19 = %scan3A_3 to %scan3A_5 step %scan3A_6  : i32 {
      %dma_start3A = arith.constant 0 : i32
      %dma_start3A_20 = tpu.memref_slice %arg6[%scan3A_19, %dma_start3A] : memref<160x125xi32, #tpu.memory_space<vmem>> -> memref<1x125xi32, #tpu.memory_space<vmem>>
      %dma_start3A_21 = tpu.memref_squeeze %dma_start3A_20 : memref<1x125xi32, #tpu.memory_space<vmem>> -> memref<125xi32, #tpu.memory_space<vmem>>
      %dma_start3A_22 = arith.constant 0 : i32
      %dma_start3A_23 = arith.constant 0 : i32
      %dma_start3A_24 = tpu.memref_slice %arg8[%dma_start3A_22, %dma_start3A_23] : memref<10240x16xf32, #tpu.memory_space<vmem_shared>> -> memref<10240x16xf32, #tpu.memory_space<vmem_shared>>
      tpu.enqueue_indirect_dma source(%arg7 : memref<125x16xf32, #tpu.memory_space<vmem>>) target(%dma_start3A_24 : memref<10240x16xf32, #tpu.memory_space<vmem_shared>>) offsets(%dma_start3A_21 : memref<125xi32, #tpu.memory_space<vmem>>) semaphore(%arg9 : memref<!tpu.dma_semaphore, #tpu.memory_space<semaphore_mem>>) {add = true}
    }
    %scan3A_7 = arith.constant 160 : i32
    %scan3A_8 = arith.constant 0 : i32
    %scan3A_9 = arith.constant 0 : i32
    %scan3A_10 = arith.constant 160 : i32
    %scan3A_11 = arith.addi %scan3A_9, %scan3A_10 : i32
    %scan3A_12 = arith.constant 1 : i32
    scf.for %scan3A_19 = %scan3A_9 to %scan3A_11 step %scan3A_12  : i32 {
      %dma_wait3A = arith.constant 0 : i32
      %dma_wait3A_20 = arith.constant 0 : i32
      %dma_wait3A_21 = tpu.memref_slice %arg6[%dma_wait3A, %dma_wait3A_20] : memref<160x125xi32, #tpu.memory_space<vmem>> -> memref<1x125xi32, #tpu.memory_space<vmem>>
      %dma_wait3A_22 = tpu.memref_squeeze %dma_wait3A_21 : memref<1x125xi32, #tpu.memory_space<vmem>> -> memref<125xi32, #tpu.memory_space<vmem>>
      %dma_wait3A_23 = arith.constant 0 : i32
      %dma_wait3A_24 = arith.constant 0 : i32
      %dma_wait3A_25 = tpu.memref_slice %arg8[%dma_wait3A_23, %dma_wait3A_24] : memref<10240x16xf32, #tpu.memory_space<vmem_shared>> -> memref<10240x16xf32, #tpu.memory_space<vmem_shared>>
      tpu.wait_indirect_dma semaphore(%arg9 : memref<!tpu.dma_semaphore, #tpu.memory_space<semaphore_mem>>) src(%arg7 : memref<125x16xf32, #tpu.memory_space<vmem>>) dst(%dma_wait3A_25 : memref<10240x16xf32, #tpu.memory_space<vmem_shared>>)
    }
    %scan3A_13 = arith.constant 160 : i32
    %barrier3A_14 = arith.constant 0 : index
    tpu.barrier barrier_id(%barrier3A_14)
    %mul3A_15 = arith.constant 640 : i32
    %mul3A_16 = arith.muli %arg1, %mul3A_15 : i32
    %mul3A_17 = arith.constant 640 : i32
    %mul3A_18 = arith.muli %arg1, %mul3A_17 : i32
    "tpu.region"() ({
      %run_scoped3A = tpu.sem_alloc : memref<!tpu.dma_semaphore, #tpu.memory_space<semaphore_mem>>
      %dma_start3A = arith.constant 0 : i32
      %dma_start3A_19 = tpu.memref_slice %arg5[%arg0, %mul3A_18, %dma_start3A] : memref<2x10240x16xf32, #tpu.memory_space<hbm>> -> memref<1x640x16xf32, #tpu.memory_space<hbm>>
      %dma_start3A_20 = tpu.memref_squeeze %dma_start3A_19 : memref<1x640x16xf32, #tpu.memory_space<hbm>> -> memref<640x16xf32, #tpu.memory_space<hbm>>
      %dma_start3A_21 = arith.constant 0 : i32
      %dma_start3A_22 = tpu.memref_slice %arg8[%mul3A_16, %dma_start3A_21] : memref<10240x16xf32, #tpu.memory_space<vmem_shared>> -> memref<640x16xf32, #tpu.memory_space<vmem_shared>>
      tpu.enqueue_dma source(%dma_start3A_22 : memref<640x16xf32, #tpu.memory_space<vmem_shared>>) target(%dma_start3A_20 : memref<640x16xf32, #tpu.memory_space<hbm>>) target_semaphore(%run_scoped3A : memref<!tpu.dma_semaphore, #tpu.memory_space<semaphore_mem>>)
      %dma_wait3A = arith.constant 0 : i32
      %dma_wait3A_23 = tpu.memref_slice %arg5[%arg0, %mul3A_18, %dma_wait3A] : memref<2x10240x16xf32, #tpu.memory_space<hbm>> -> memref<1x640x16xf32, #tpu.memory_space<hbm>>
      %dma_wait3A_24 = tpu.memref_squeeze %dma_wait3A_23 : memref<1x640x16xf32, #tpu.memory_space<hbm>> -> memref<640x16xf32, #tpu.memory_space<hbm>>
      %dma_wait3A_25 = arith.constant 0 : i32
      %dma_wait3A_26 = tpu.memref_slice %arg8[%mul3A_16, %dma_wait3A_25] : memref<10240x16xf32, #tpu.memory_space<vmem_shared>> -> memref<640x16xf32, #tpu.memory_space<vmem_shared>>
      tpu.wait_dma2 semaphore(%run_scoped3A : memref<!tpu.dma_semaphore, #tpu.memory_space<semaphore_mem>>) src(%dma_wait3A_26 : memref<640x16xf32, #tpu.memory_space<vmem_shared>>) dst(%dma_wait3A_24 : memref<640x16xf32, #tpu.memory_space<hbm>>)
      tpu.yield
    }) : () -> ()
    return
  }
}

</mosaic_0001>

<sc_bundles>
// kernel: _sc_degree.3.cloned.1.call-start
scs
__scs_entry_jumppad:
0x0: {  	(pc) =	sbr.rel $0x88, $3  }
0x1: {  	(tag) =	ssettag $0x0;
	lr =	simm.s32 $0x1  }
0x2: {  	[smem:$0x3F9E] =	sst lr;
	_ =	strace $0xD0000000  }
0x3: {  	_ = 	snop  }
0x4: {  	_ = 	snop  }
0x5: {  	_ = 	snop  }
0x6: {  	_ = 	snop  }
0x7: {  	_ = 	snop  }
__scs_overlays_trampoline_lowered:
0x8: {  	[smem:$0x3FAD] =	sst s0  }
0x9: {  	[smem:$0x3FAE] =	sst s1  }
0xa: {  	[smem:$0x3FAF] =	sst s2  }
0xb: {  	[smem:$0x3FB0] =	sst s3  }
0xc: {  	[smem:$0x3FB1] =	sst s4  }
0xd: {  	[smem:$0x3FB2] =	sst s5  }
0xe: {  	[smem:$0x3FB3] =	sst s6  }
0xf: {  	[smem:$0x3FB4] =	sst s7  }
0x10: {  	[smem:$0x3FB5] =	sst s8  }
0x11: {  	[smem:$0x3FB6] =	sst s9;
	s0 =	simm.s32 @!p0 $0x0  }
0x12: {  	s1 =	sld [smem:$0x3F9C];
	s0 =	simm.s32 @p0 $0x1  }
0x13: {  	[smem:$0x3FB7] =	sst s0;
	s0 =	simm.s32 @!p1 $0x0  }
0x14: {  	s2 =	sld [smem:$0x3F9B];
	s0 =	simm.s32 @p1 $0x1  }
0x15: {  	[smem:$0x3FB8] =	sst s0;
	s0 =	simm.s32 @!p2 $0x0  }
0x16: {  	s3 =	sld [smem:$0x3FDB];
	s0 =	simm.s32 @p2 $0x1  }
0x17: {  	s4 =	simm.s32 $0x1BF5;
	[smem:$0x3FBA] =	sst s0  }
0x18: {  	s0 =	sld [smem:$0x3F9D];
	_ =	swait.ge [sflag:s4], $0x0  }
0x19: {  	s7 =	sld [smem:$0x3F9E]  }
0x1a: {  	s8 =	sadd.s32 $0xFFFFE003, lr  }
0x1b: {  	s9 =	sadd.s32 $0xFFFFFEF7, lr;
	s5 =	simm.s32 $0xFFFFFFFF;
	p2 =	slt.u32 s8, $0xFFFFF086  }
0x1c: {  	p1 =	slt.u32 s9, $0xF7A;
	s5 =	simm.s32 @!p2 $0x0  }
0x1d: {  	s5 =	simm.s32 @p1 $0x1;
	p0 =	seq.s32 s7, s2  }
0x1e: {  	s7 =	smul.u32 @!p0 $0xF7A, s2;
	p2 =	seq.s32 @!p0 s5, $0x0  }
0x1f: {  	s9 =	smul.u32 $0xF7A, s1;
	s8 =	simm.s32 @!p0 $0x1BF5;
	p2 =	por !p2, p0  }
0x20: {  	[sflag:s8] =	ssyncset.s32 @!p0 $0xFFFFF086;
	s6 =	sadd.s32 @!p0 s3, s7;
	s7 =	simm.s32 @!p0 $0x108  }
0x21: {  	s3 =	sadd.s32 s3, s9;
	s6 =	sadd.s32 @!p0 $0x88, s6;
	s7 =	simm.s32 @p2 $0x1082  }
0x22: {  	[simem:s7], [sflag:s8] =	dma.local @!p0 [hbm:s6], $0xF7A  }
0x23: {  	s9 =	sor.u32 $0xD0000000, s2;
	s6 =	simm.s32 $0x108;
	_ =	swait.ge @!p0 [sflag:s8], $0x0  }
0x24: {  	s3 =	sadd.s32 $0x88, s3;
	s6 =	simm.s32 @!p1 $0x1082;
	[sflag:s4] =	ssyncset.s32 $0xFFFFF086  }
0x25: {  	[simem:s6], [sflag:s4] =	dma.local [hbm:s3], $0xF7A  }
0x26: {  	[smem:$0x3F9E] =	sst s1;
	(tag) =	ssettag s2;
	_ =	strace s9  }
0x27: {  	s1 =	sld [smem:$0x3FAE]  }
0x28: {  	s2 =	sld [smem:$0x3FAF]  }
0x29: {  	s4 =	sld [smem:$0x3FB1]  }
0x2a: {  	p0 =	seq.s32 s5, $0x0;
	s5 =	sld [smem:$0x3FB2]  }
0x2b: {  	s6 =	sld [smem:$0x3FB3]  }
0x2c: {  	s7 =	sld [smem:$0x3FB4]  }
0x2d: {  	s3 =	simm.s32 $0x108;
	s8 =	sld [smem:$0x3FB5]  }
0x2e: {  	s3 =	simm.s32 @!p0 $0x1082;
	s9 =	sld [smem:$0x3FB6]  }
0x2f: {  	lr =	sadd.s32 s0, s3;
	s0 =	sld [smem:$0x3FAD]  }
0x30: {  	s3 =	sld [smem:$0x3FB0]  }
0x31: {  	[smem:$0x3FB9] =	sst s10  }
0x32: {  	s10 =	sld [smem:$0x3FB7];
	_ =	sdelay $0x3  }
0x33: {  	p0 =	seq.s32 s10, $0x1;
	s10 =	sld [smem:$0x3FB9];
	_ =	sdelay $0x3  }
0x34: {  	[smem:$0x3FB9] =	sst s10  }
0x35: {  	s10 =	sld [smem:$0x3FB8];
	_ =	sdelay $0x3  }
0x36: {  	p1 =	seq.s32 s10, $0x1;
	s10 =	sld [smem:$0x3FB9];
	_ =	sdelay $0x3  }
0x37: {  	[smem:$0x3FB9] =	sst s10  }
0x38: {  	s10 =	sld [smem:$0x3FBA]  }
0x39: {  	_ = 	snop;
	(pc) =	sbr.ind lr, $3  }
0x3a: {  	_ = 	snop  }
0x3b: {  	_ = 	snop  }
0x3c: {  	p2 =	seq.s32 s10, $0x1;
	s10 =	sld [smem:$0x3FB9]  }
0x3d: {  	_ =	shalt  }
0x3e: {  	_ =	shalt  }
0x3f: {  	_ =	shalt  }
0x40: {  	_ =	shalt  }
0x41: {  	_ =	shalt  }
0x42: {  	_ =	shalt  }
0x43: {  	_ =	shalt  }
0x44: {  	_ =	shalt  }
0x45: {  	_ =	shalt  }
0x46: {  	_ =	shalt  }
0x47: {  	_ =	shalt  }
0x48: {  	_ =	shalt  }
0x49: {  	_ =	shalt  }
0x4a: {  	_ =	shalt  }
0x4b: {  	_ =	shalt  }
0x4c: {  	_ =	shalt  }
0x4d: {  	_ =	shalt  }
0x4e: {  	_ =	shalt  }
0x4f: {  	_ =	shalt  }
0x50: {  	_ =	shalt  }
0x51: {  	_ =	shalt  }
0x52: {  	_ =	shalt  }
0x53: {  	_ =	shalt  }
0x54: {  	_ =	shalt  }
0x55: {  	_ =	shalt  }
0x56: {  	_ =	shalt  }
0x57: {  	_ =	shalt  }
0x58: {  	_ =	shalt  }
0x59: {  	_ =	shalt  }
0x5a: {  	_ =	shalt  }
0x5b: {  	_ =	shalt  }
0x5c: {  	_ =	shalt  }
0x5d: {  	_ =	shalt  }
0x5e: {  	_ =	shalt  }
0x5f: {  	_ =	shalt  }
0x60: {  	_ =	shalt  }
0x61: {  	_ =	shalt  }
0x62: {  	_ =	shalt  }
0x63: {  	_ =	shalt  }
0x64: {  	_ =	shalt  }
0x65: {  	_ =	shalt  }
0x66: {  	_ =	shalt  }
0x67: {  	_ =	shalt  }
0x68: {  	_ =	shalt  }
0x69: {  	_ =	shalt  }
0x6a: {  	_ =	shalt  }
0x6b: {  	_ =	shalt  }
0x6c: {  	_ =	shalt  }
0x6d: {  	_ =	shalt  }
0x6e: {  	_ =	shalt  }
0x6f: {  	_ =	shalt  }
0x70: {  	_ =	shalt  }
0x71: {  	_ =	shalt  }
0x72: {  	_ =	shalt  }
0x73: {  	_ =	shalt  }
0x74: {  	_ =	shalt  }
0x75: {  	_ =	shalt  }
0x76: {  	_ =	shalt  }
0x77: {  	_ =	shalt  }
0x78: {  	_ =	shalt  }
0x79: {  	_ =	shalt  }
0x7a: {  	_ =	shalt  }
0x7b: {  	_ =	shalt  }
0x7c: {  	_ =	shalt  }
0x7d: {  	_ =	shalt  }
0x7e: {  	_ =	shalt  }
0x7f: {  	_ =	shalt  }
0x80: {  	_ =	shalt  }
0x81: {  	_ =	shalt  }
0x82: {  	_ =	shalt  }
0x83: {  	_ =	shalt  }
0x84: {  	_ =	shalt  }
0x85: {  	_ =	shalt  }
0x86: {  	_ =	shalt  }
0x87: {  	_ =	shalt  }
.Lfunc_end0:
.L_simem_size_0:
called_computation_lowered:
.L_overlay_start_0:
0x88: {  	s2 =	sld [smem:$0x3FD9]  }
0x89: {  	s3 =	sld [smem:$0x3FFE];
	_ =	sdelay $0x1  }
0x8a: {  	s1 =	srdreg.scid  }
0x8b: {  	s0 =	sand.u32 $0x1, s1  }
0x8c: {  	s17 =	sshll.u32 s0, $0xA;
	s2 =	sadd.s32 s3, s2  }
0x8d: {  	s2 =	sadd.s32 s2, s17  }
0x8e: {  	[smem:$0x3FC5] =	sst s2  }
0x8f: {  	_ = 	snop  }
0x90: {  	s2 =	sld [smem:$0x3FD0];
	(tm) =	ssettm $0x1  }
0x91: {  	s18 =	sld [smem:$0x3FFB];
	_ =	sdelay $0x3  }
0x92: {  	_ =	strace s18  }
0x93: {  	s3 =	sld [smem:$0x3FFC];
	_ =	sdelay $0x3  }
0x94: {  	_ =	strace s3  }
0x95: {  	s3 =	sld [smem:$0x3FFD];
	_ =	sdelay $0x3  }
0x96: {  	_ =	strace s3  }
0x97: {  	_ =	strace $0x8FFFFFFF  }
0x98: {  	s19 =	sld [smem:$0x3FDB];
	_ =	sdelay $0x1  }
0x99: {  	s4 =	simm.s32 $_scs_section_size  }
0x9a: {  	s5 =	simm.s32 $_size__tile_overlayer_lowered;
	s6 =	simm.s32 $_tile_overlayer_lowered  }
0x9b: {  	s22 =	simm.s32 $0x1BFF;
	s21 =	sshll.u32 s6, $0x1;
	s3 =	sadd.s32 s4, s19  }
0x9c: {  	s7 =	simm.s32 $0x0;
	s20 =	sshll.u32 s5, $0x1;
	s5 =	sadd.s32 s21, s3  }
0x9d: {  	[timem:s7], [sflag:s22] =	dma.local [hbm:s5], s20  }
0x9e: {  	_ =	swait.ge [sflag:s22], s20  }
0x9f: {  	s4 =	ssub.s32 $0x0, s20;
	[sflag:s22] =	ssyncset.done $0x0  }
0xa0: {  	[sflag:s22] =	ssyncadd.s32 s4;
	_ =	sdelay $0x1  }
0xa1: {  	s23 =	simm.s32 $0x1B8B  }
0xa2: {  	_ =	swait.ge [sflag:s23], $0x1  }
0xa3: {  	[sflag:s23] =	ssyncset.done $0x0  }
0xa4: {  	s25 =	simm.s32 $0x1B8E;
	s24 =	sld [smem:$0x3FFE];
	[sflag:s23] =	ssyncadd.s32 $0xFFFFFFFF  }
0xa5: {  	s26 =	simm.s32 $execute0_lowered;
	[smem:$0x3FD2] =	sst s25  }
0xa6: {  	s5 =	sshll.u32 s26, $0x1;
	_ =	strace $0x80000046;
	[dreg:$0x1] =	wrdreg $0xFFFFFFFF  }
0xa7: {  	s28 =	simm.s32 $_size_execute0_lowered;
	s3 =	sadd.s32 s3, s5;
	[dreg:$0x0] =	wrdreg $0x0  }
0xa8: {  	s5 =	sshll.u32 s28, $0x1;
	[dreg:$0x2] =	wrdreg s3  }
0xa9: {  	[dreg:$0x3] =	wrdreg s5  }
0xaa: {  	[dreg:$0x4] =	wrdreg $0xC0  }
0xab: {  	_ =	task [dreg:s7], $0x5FFFF  }
0xac: {  	[dreg:$0x1] =	wrdreg $0xFFFFFFFF  }
0xad: {  	[dreg:$0x0] =	wrdreg $0x60  }
0xae: {  	[dreg:$0x2] =	wrdreg s24  }
0xaf: {  	[dreg:$0x3] =	wrdreg s2  }
0xb0: {  	[dreg:$0x4] =	wrdreg $0x57D00  }
0xb1: {  	[dreg:$0x5] =	wrdreg $0x9  }
0xb2: {  	_ =	task.clear_ibuf [dreg:s7], $0x6FFFF;
	_ =	strace $0x90000046  }
0xb3: {  	s29 =	simm.s32 $0x9;
	_ =	strace $0x80000048  }
0xb4: {  	_ =	swait.ge [sflag:s29], $0x1  }
0xb5: {  	[sflag:s29] =	ssyncadd.s32 $0xFFFFFFFF  }
0xb6: {  	_ =	strace $0x90000048  }
0xb7: {  	_ =	sfence  }
0xb8: {  	s30 =	sld [smem:$0x0];
	_ =	sdelay $0x2  }
0xb9: {  	s31 =	sshll.u32 s1, $0xD;
	s1 =	sshrl.u32 s1, $0x2  }
0xba: {  	s3 =	sand.u32 $0x4000, s31;
	s1 =	sadd.s32 s1, s30  }
0xbb: {  	s0 =	sor.u32 s3, s0;
	s1 =	sshll.u32 s1, $0x11  }
0xbc: {  	s0 =	sor.u32 s1, s0  }
0xbd: {  	s0 =	sadd.s32 $0x8F2B, s0  }
0xbe: {  	[sflag:s0] =	ssyncadd.remote.s32 $0x1  }
0xbf: {  	_ =	sfence.sel $0xFFFF  }
0xc0: {  	[dreg:$0x0] =	wrdreg $0xFFFFFFFF;
	(pc) =	sbr.abs _section_cstart, $3  }
0xc1: {  	[dreg:$0x1] =	wrdreg $0xFFFFFFFF  }
0xc2: {  	_ =	task.clear_ibuf [dreg:s7], $0x2FFFF;
	_ =	strace $0x9FFFFFFF  }
0xc3: {  	(tm) =	ssettm $0x7FFFFFFF  }
tec
execute0_lowered:
.L_overlay_start_1:
0x0: {  	(tag) =	ssettag $0x1  }
0x1: {  	s5 =	rddreg [dreg:$0x0]  }
0x2: {  	s7 =	rddreg [dreg:$0x1]  }
0x3: {  	s0 =	srdreg.scid;
	s2 =	rddreg [dreg:$0x2];
	s3 =	simm.s32 $0x0  }
0x4: {  	s13 =	simm.s32 $0x7D;
	s4 =	sand.u32 $0x1, s0;
	s0 =	stileid.u32  }
0x5: {  	s14 =	simm.s32 $0x1;
	s15 =	simm.s32 $0x0;
	s8 =	smul.u32 $0x2800, s0  }
0x6: {  	[smem:$0x7FF] =	sst s3;
	s1 =	sshll.u32 s4, $0x4;
	s9 =	smul.u32 $0x28000, s4  }
0x7: {  	s10 =	ssub.s32 $0x2, s4;
	s4 =	sadd.s32 $0x400, s5;
	s1 =	sor.u32 s0, s1  }
0x8: {  	s31 =	sshll.u32 s0, $0x6;
	s11 =	sshrl.u32 s10, $0x1;
	s6 =	smul.u32 $0xA00, s1  }
0x9: {  	s1 =	rddreg [dreg:$0x3];
	_ =	strace $0x80000047;
	s9 =	sadd.s32 s8, s9  }
0xa: {  	s10 =	ssub.s32 s10, s11;
	s12 =	sadd.s32 s8, s2;
	s11 =	sor.u32 $0x1C02, s31  }
0xb: {  	s9 =	sshrl.u32 s9, $0x3;
	s8 =	smax.u32 s10, $0x1;
	s10 =	simm.s32 $0x2  }
0xc: {  	s12 =	sshrl.u32 s12, $0x3;
	s6 =	sadd.s32 s6, s5;
	s5 =	sadd.s32 $0x600, s5  }
0xd: {  	s7 =	sadd.s32 s7, s9;
	s9 =	simm.s32 $0x5000;
	s6 =	sadd.s32 $0xC00, s6  }
.LBB2_1:
0xe: {  	[tilespmem:s9], [sflag:$0x2] =	stream.linear.gather [hbm4b:s4+s3], $0x7D0, $0x38;
	[tilespmem:$0x7FD0] =	vst v63  }
0xf: {  	_ =	swait.ge [sflag:s10], $0x7D0  }
0x10: {  	[sflag:s10] =	ssyncset.done $0x0  }
0x11: {  	[sflag:s10] =	ssyncadd.s32 $0xFFFFF830  }
0x12: {  	[tilespmem:s3], [sflag:$0x2] =	stream.linear.gather [hbm4b:s6+s3], $0x5000, $0x38;
	[tilespmem:$0x7FD0] =	vst v63  }
0x13: {  	_ =	swait.ge [sflag:s10], $0x5000  }
0x14: {  	[sflag:s10] =	ssyncset.done $0x0  }
0x15: {  	[sflag:s10] =	ssyncadd.s32 $0xFFFFB000  }
0x16: {  	[spmem:s12], [sflag:s11] =	dma.local [hbm:s5], $0x500  }
0x17: {  	_ =	swait.ge [sflag:s10], $0x500  }
0x18: {  	[sflag:s10] =	ssyncset.done $0x0  }
0x19: {  	[sflag:s10] =	ssyncadd.s32 $0xFFFFFB00  }
0x1a: {  	s16 =	simm.s32 $0x0;
	[bflag:$0x0] =	sbarrier.arrive $0xFFFF  }
.LBB2_2:
0x1b: {  	p0 =	sne.s32 s16, $0x13E00  }
.Ltmp0:
0x1c: {  	_ = 	snop;
	(pc) =	sbr.rel @p0 .LBB2_2-.Ltmp0, $3  }
0x1d: {  	_ =	sdelay $0x1  }
0x1e: {  	s17 =	sshra.s32 s16, $0x2;
	s16 =	sadd.s32 $0x200, s16  }
0x1f: {  	[spmem:s2] =	stream.indirect.scatter.add.f32 [tilespmem:s9], [sflag:$0x1], $0x10, s17, s13, $0xb8;
	[tilespmem:$0x7FD0] =	vst v63  }
0x20: {  	_ =	swait.ge [sflag:s14], $0x7D0  }
0x21: {  	s16 =	simm.s32 $0x9F;
	[sflag:s14] =	ssyncset.done $0x0  }
.LBB2_4:
0x22: {  	p0 =	sne.s32 s16, $0x1;
	s16 =	sadd.s32 $0xFFFFFFFF, s16;
	[sflag:s14] =	ssyncadd.s32 $0xFFFFF830  }
.Ltmp1:
0x23: {  	(pc) =	sbr.rel @p0 .LBB2_4-.Ltmp1, $3  }
0x24: {  	_ =	sdelay $0x1  }
0x25: {  	_ =	swait.ge [sflag:s14], $0x7D0  }
0x26: {  	[sflag:s14] =	ssyncset.done $0x0  }
0x27: {  	s15 =	sadd.s32 $0x1, s15  }
0x28: {  	[sflag:s14] =	ssyncadd.s32 $0xFFFFF830;
	p0 =	sne.s32 s15, s8  }
.Ltmp2:
0x29: {  	[bflag:$0x0] =	sbarrier.arrive $0xFFFF;
	(pc) =	sbr.rel @p0 .LBB2_1-.Ltmp2, $4  }
0x2a: {  	[hbm:s7], [sflag:s11] =	dma.local [spmem:s12], $0x500  }
0x2b: {  	_ =	swait.ge [sflag:s10], $0x500  }
0x2c: {  	[sflag:s10] =	ssyncset.done $0x0  }
0x2d: {  	[sflag:s10] =	ssyncadd.s32 $0xFFFFFB00  }
0x2e: {  	_ =	sfence.sel $0x180000  }
0x2f: {  	[bflag:$0x0] =	sbarrier.arrive $0xFFFF  }
0x30: {  	p0 =	sne.s32 s0, $0x0;
	_ =	strace $0x90000047  }
0x31: {  	s0 =	sadd.s32 @!p0 $0x100000, s1;
	[bflag:$0x2] =	sbarrier.arrive $0xFFFF  }
0x32: {  	[sflag:s0] =	ssyncadd.tile.s32 @!p0 $0x1;
	_ =	shalt  }
.Lfunc_end2:
_tile_overlayer_lowered:
.L_overlay_start_2:
0x33: {  	(tag) =	ssettag $0x2  }
0x34: {  	s0 =	rddreg [dreg:$0x0];
	s2 =	stileid.u32  }
0x35: {  	s1 =	rddreg [dreg:$0x1];
	p0 =	sne.s32 s2, $0x0  }
0x36: {  	s3 =	rddreg [dreg:$0x2];
	[bflag:$0x3] =	sbarrier.arrive $0xFFFF;
	s2 =	simm.s32 @!p0 $0x1C02  }
0x37: {  	[timem:s3], [sflag:s2] =	dma.local @!p0 [hbm:s0], s1  }
0x38: {  	s0 =	simm.s32 @!p0 $0x2  }
0x39: {  	_ =	swait.ge @!p0 [sflag:s0], s1  }
0x3a: {  	s1 =	ssub.s32 @!p0 $0x0, s1;
	[sflag:s0] =	ssyncset.done @!p0 $0x0  }
0x3b: {  	[sflag:s0] =	ssyncadd.s32 @!p0 s1  }
0x3c: {  	[bflag:$0x3] =	sbarrier.arrive $0xFFFF  }
0x3d: {  	_ =	shalt  }

</sc_bundles>
